<compile_context>
chip_gen: v7x
topology: tpu7x:2x2x1
jax: 0.10.2.dev20260603
libtpu: 0.0.44.dev20260713+nightly
codegen_flags: <defaults>
</compile_context>

<pallas_src>
import functools

import jax
import jax.numpy as jnp
from jax import lax
from jax.experimental import pallas as pl
from jax.experimental.pallas import tpu as pltpu
from jax.experimental.pallas import tpu_sc as plsc

B, L = 4096, 200
EMB = 128
HIDDEN = 256
MAX_GRID = 30
N = B * L

_info = plsc.get_sparse_core_info()
_NC, _NS = _info.num_cores, _info.num_subcores
_NW = _NC * _NS
_TOK_PER_W = N // _NW
_CHUNK = 200
_N_CHUNKS = _TOK_PER_W // _CHUNK

_mesh = plsc.VectorSubcoreMesh(core_axis_name="c", subcore_axis_name="s")


@functools.partial(
    pl.kernel,
    mesh=_mesh,
    out_type=jax.ShapeDtypeStruct((N, HIDDEN), jnp.float32),
    scratch_types=[
        pltpu.VMEM((_CHUNK,), jnp.int32),
        pltpu.VMEM((_CHUNK,), jnp.int32),
        pltpu.VMEM((_CHUNK,), jnp.int32),
        pltpu.VMEM((_CHUNK,), jnp.int32),
        pltpu.VMEM((_CHUNK, EMB), jnp.float32),
        pltpu.VMEM((_CHUNK, EMB), jnp.float32),
        pltpu.VMEM((_CHUNK, EMB), jnp.float32),
        pltpu.VMEM((_CHUNK, EMB), jnp.float32),
        pltpu.SemaphoreType.DMA,
        pltpu.SemaphoreType.DMA,
        pltpu.SemaphoreType.DMA,
        pltpu.VMEM_SHARED((MAX_GRID, EMB), jnp.float32),
        pltpu.VMEM_SHARED((MAX_GRID, EMB), jnp.float32),
    ],
)
def _sc_lookup(x_hbm, y_hbm, xt_hbm, yt_hbm, out_hbm,
               xidx0, xidx1, yidx0, yidx1,
               xrows0, xrows1, yrows0, yrows1, gsem0, gsem1, ssem,
               xt_sp, yt_sp):
    wid = lax.axis_index("s") * _NC + lax.axis_index("c")
    base = wid * _TOK_PER_W
    gsems = (gsem0, gsem1)

    @pl.when(lax.axis_index("s") == 0)
    def _stage_tables():
        pltpu.sync_copy(xt_hbm, xt_sp)
        pltpu.sync_copy(yt_hbm, yt_sp)

    plsc.subcore_barrier()
    xidx_v = (xidx0, xidx1)
    yidx_v = (yidx0, yidx1)
    xrows_v = (xrows0, xrows1)
    yrows_v = (yrows0, yrows1)

    def start_gathers(i, s):
        tok0 = base + i * _CHUNK
        pltpu.sync_copy(x_hbm.at[pl.ds(tok0, _CHUNK)], xidx_v[s])
        pltpu.sync_copy(y_hbm.at[pl.ds(tok0, _CHUNK)], yidx_v[s])
        pltpu.async_copy(xt_sp.at[xidx_v[s]], xrows_v[s], gsems[s])
        pltpu.async_copy(yt_sp.at[yidx_v[s]], yrows_v[s], gsems[s])

    def wait_gathers(s):
        pltpu.make_async_copy(xt_sp.at[xidx_v[s]], xrows_v[s], gsems[s]).wait()
        pltpu.make_async_copy(yt_sp.at[yidx_v[s]], yrows_v[s], gsems[s]).wait()

    def scatter(i, s):
        tok0 = base + i * _CHUNK
        cx = pltpu.async_copy(
            xrows_v[s], out_hbm.at[pl.ds(tok0, _CHUNK), pl.ds(0, EMB)], ssem)
        cy = pltpu.async_copy(
            yrows_v[s], out_hbm.at[pl.ds(tok0, _CHUNK), pl.ds(EMB, EMB)], ssem)
        cx.wait()
        cy.wait()

    def body(i, s):
        wait_gathers(s)
        start_gathers(i + 1, 1 - s)
        scatter(i, s)

    start_gathers(0, 0)

    def pair_body(j, carry):
        body(2 * j, 0)
        body(2 * j + 1, 1)
        return carry

    lax.fori_loop(0, (_N_CHUNKS - 2) // 2, pair_body, 0)
    body(_N_CHUNKS - 2, 0)
    wait_gathers(1)
    scatter(_N_CHUNKS - 1, 1)


def kernel(x, y, x_embed, y_embed):
    xf = x.reshape(-1).astype(jnp.int32)
    yf = y.reshape(-1).astype(jnp.int32)
    out = _sc_lookup(xf, yf, x_embed, y_embed)
    return out.reshape(B, L, HIDDEN)

# --- scband reference (transcript-rebuilt; emitter-appended) ---
"""Pipeline reference for scband-spatial-position-encoding-12489764897465 (READ-ONLY COPY).

The authoritative reference and input builder live on the scoring server;
editing this copy changes nothing except your own understanding.
"""

import jax, jax.numpy as jnp
import numpy as np

B, L = 4096, 200
HIDDEN_DIM = 256
MAX_GRID = 30
NUM_DIMS = 2
EMB_DIM = HIDDEN_DIM // NUM_DIMS


def setup_inputs(seed: int = 0) -> dict:
    key = jax.random.key(seed)
    k1, k2, k3, k4 = jax.random.split(key, 4)
    x = jax.random.randint(k1, (B, L), 0, MAX_GRID, dtype=jnp.int64) if jax.config.read('jax_enable_x64') else jax.random.randint(k1, (B, L), 0, MAX_GRID, dtype=jnp.int32)
    y = jax.random.randint(k2, (B, L), 0, MAX_GRID, dtype=jnp.int32)
    x_embed = jax.random.normal(k3, (MAX_GRID, EMB_DIM), dtype=jnp.float32)
    y_embed = jax.random.normal(k4, (MAX_GRID, EMB_DIM), dtype=jnp.float32)
    return {"x": x, "y": y, "x_embed": x_embed, "y_embed": y_embed}


def reference(x, y, x_embed, y_embed):
    # encode_discrete path of SpatialPositionEncoding (num_dims=2)
    xc = jnp.clip(x, 0, MAX_GRID - 1)
    yc = jnp.clip(y, 0, MAX_GRID - 1)
    x_enc = jnp.take(x_embed, xc, axis=0)  # [B, L, EMB_DIM]
    y_enc = jnp.take(y_embed, yc, axis=0)  # [B, L, EMB_DIM]
    pad_width = HIDDEN_DIM - x_enc.shape[-1] - y_enc.shape[-1]
    padding = jnp.zeros(x_enc.shape[:-1] + (pad_width,), dtype=x_enc.dtype)
    return jnp.concatenate([x_enc, y_enc, padding], axis=-1)

if __name__ == "__main__":
    import jax
    _d = setup_inputs()
    print(jax.jit(kernel)(*tuple(_d.values())))

</pallas_src>

<mosaic_0001>
#map = affine_map<(d0, d1) -> (0)>
#map1 = affine_map<(d0, d1) -> (0, 0)>
module attributes {stable_mosaic.version = 14 : i64} {
  func.func @_sc_lookup(%arg0: i32, %arg1: i32, %arg2: memref<819200xi32, #tpu.memory_space<hbm>>, %arg3: memref<819200xi32, #tpu.memory_space<hbm>>, %arg4: memref<30x128xf32, #tpu.memory_space<hbm>>, %arg5: memref<30x128xf32, #tpu.memory_space<hbm>>, %arg6: memref<819200x256xf32, #tpu.memory_space<hbm>>, %arg7: memref<200xi32, #tpu.memory_space<vmem>>, %arg8: memref<200xi32, #tpu.memory_space<vmem>>, %arg9: memref<200xi32, #tpu.memory_space<vmem>>, %arg10: memref<200xi32, #tpu.memory_space<vmem>>, %arg11: memref<200x128xf32, #tpu.memory_space<vmem>>, %arg12: memref<200x128xf32, #tpu.memory_space<vmem>>, %arg13: memref<200x128xf32, #tpu.memory_space<vmem>>, %arg14: memref<200x128xf32, #tpu.memory_space<vmem>>, %arg15: memref<!tpu.dma_semaphore, #tpu.memory_space<semaphore_mem>>, %arg16: memref<!tpu.dma_semaphore, #tpu.memory_space<semaphore_mem>>, %arg17: memref<!tpu.dma_semaphore, #tpu.memory_space<semaphore_mem>>, %arg18: memref<30x128xf32, #tpu.memory_space<vmem_shared>>, %arg19: memref<30x128xf32, #tpu.memory_space<vmem_shared>>) attributes {dimension_semantics = [#tpu.dimension_semantics<core_parallel>, #tpu.dimension_semantics<subcore_parallel>], iteration_bounds = array<i64: 2, 16>, scalar_prefetch = 0 : i64, scratch_operands = 13 : i64, tpu.core_type = #tpu.core_type<sc_vector_subcore>, window_params = [{transform_indices = #map}, {transform_indices = #map}, {transform_indices = #map1}, {transform_indices = #map1}, {transform_indices = #map1}]} {
    %mul3A = arith.constant 2 : i32
    %mul3A_0 = arith.muli %arg1, %mul3A : i32
    %add3A = arith.addi %mul3A_0, %arg0 : i32
    %mul3A_1 = arith.constant 25600 : i32
    %mul3A_2 = arith.muli %add3A, %mul3A_1 : i32
    %eq3A = arith.constant 0 : i32
    %eq3A_3 = arith.cmpi eq, %arg1, %eq3A : i32
    %convert_element_type3A = arith.extui %eq3A_3 : i1 to i32
    %cond3A = arith.constant 0 : i32
    %cond3A_4 = arith.cmpi ne, %convert_element_type3A, %cond3A : i32
    scf.if %cond3A_4 {
      "tpu.region"() ({
        %run_scoped3A = tpu.sem_alloc : memref<!tpu.dma_semaphore, #tpu.memory_space<semaphore_mem>>
        tpu.enqueue_dma source(%arg4 : memref<30x128xf32, #tpu.memory_space<hbm>>) target(%arg18 : memref<30x128xf32, #tpu.memory_space<vmem_shared>>) target_semaphore(%run_scoped3A : memref<!tpu.dma_semaphore, #tpu.memory_space<semaphore_mem>>)
        tpu.wait_dma2 semaphore(%run_scoped3A : memref<!tpu.dma_semaphore, #tpu.memory_space<semaphore_mem>>) src(%arg4 : memref<30x128xf32, #tpu.memory_space<hbm>>) dst(%arg18 : memref<30x128xf32, #tpu.memory_space<vmem_shared>>)
        tpu.yield
      }) : () -> ()
      "tpu.region"() ({
        %run_scoped3A = tpu.sem_alloc : memref<!tpu.dma_semaphore, #tpu.memory_space<semaphore_mem>>
        tpu.enqueue_dma source(%arg5 : memref<30x128xf32, #tpu.memory_space<hbm>>) target(%arg19 : memref<30x128xf32, #tpu.memory_space<vmem_shared>>) target_semaphore(%run_scoped3A : memref<!tpu.dma_semaphore, #tpu.memory_space<semaphore_mem>>)
        tpu.wait_dma2 semaphore(%run_scoped3A : memref<!tpu.dma_semaphore, #tpu.memory_space<semaphore_mem>>) src(%arg5 : memref<30x128xf32, #tpu.memory_space<hbm>>) dst(%arg19 : memref<30x128xf32, #tpu.memory_space<vmem_shared>>)
        tpu.yield
      }) : () -> ()
    } else {
    }
    %barrier3A = arith.constant 0 : index
    tpu.barrier barrier_id(%barrier3A)
    %add3A_5 = arith.constant 0 : i32
    %add3A_6 = arith.addi %mul3A_2, %add3A_5 : i32
    "tpu.region"() ({
      %run_scoped3A = tpu.sem_alloc : memref<!tpu.dma_semaphore, #tpu.memory_space<semaphore_mem>>
      %dma_start3A_72 = tpu.memref_slice %arg2[%add3A_6] : memref<819200xi32, #tpu.memory_space<hbm>> -> memref<200xi32, #tpu.memory_space<hbm>>
      %dma_start3A_73 = tpu.memref_slice %arg2[%add3A_6] : memref<819200xi32, #tpu.memory_space<hbm>> -> memref<200xi32, #tpu.memory_space<hbm>>
      tpu.enqueue_dma source(%dma_start3A_73 : memref<200xi32, #tpu.memory_space<hbm>>) target(%arg7 : memref<200xi32, #tpu.memory_space<vmem>>) target_semaphore(%run_scoped3A : memref<!tpu.dma_semaphore, #tpu.memory_space<semaphore_mem>>)
      %dma_wait3A_74 = tpu.memref_slice %arg2[%add3A_6] : memref<819200xi32, #tpu.memory_space<hbm>> -> memref<200xi32, #tpu.memory_space<hbm>>
      %dma_wait3A_75 = tpu.memref_slice %arg2[%add3A_6] : memref<819200xi32, #tpu.memory_space<hbm>> -> memref<200xi32, #tpu.memory_space<hbm>>
      tpu.wait_dma2 semaphore(%run_scoped3A : memref<!tpu.dma_semaphore, #tpu.memory_space<semaphore_mem>>) src(%dma_wait3A_75 : memref<200xi32, #tpu.memory_space<hbm>>) dst(%arg7 : memref<200xi32, #tpu.memory_space<vmem>>)
      tpu.yield
    }) : () -> ()
    "tpu.region"() ({
      %run_scoped3A = tpu.sem_alloc : memref<!tpu.dma_semaphore, #tpu.memory_space<semaphore_mem>>
      %dma_start3A_72 = tpu.memref_slice %arg3[%add3A_6] : memref<819200xi32, #tpu.memory_space<hbm>> -> memref<200xi32, #tpu.memory_space<hbm>>
      %dma_start3A_73 = tpu.memref_slice %arg3[%add3A_6] : memref<819200xi32, #tpu.memory_space<hbm>> -> memref<200xi32, #tpu.memory_space<hbm>>
      tpu.enqueue_dma source(%dma_start3A_73 : memref<200xi32, #tpu.memory_space<hbm>>) target(%arg9 : memref<200xi32, #tpu.memory_space<vmem>>) target_semaphore(%run_scoped3A : memref<!tpu.dma_semaphore, #tpu.memory_space<semaphore_mem>>)
      %dma_wait3A_74 = tpu.memref_slice %arg3[%add3A_6] : memref<819200xi32, #tpu.memory_space<hbm>> -> memref<200xi32, #tpu.memory_space<hbm>>
      %dma_wait3A_75 = tpu.memref_slice %arg3[%add3A_6] : memref<819200xi32, #tpu.memory_space<hbm>> -> memref<200xi32, #tpu.memory_space<hbm>>
      tpu.wait_dma2 semaphore(%run_scoped3A : memref<!tpu.dma_semaphore, #tpu.memory_space<semaphore_mem>>) src(%dma_wait3A_75 : memref<200xi32, #tpu.memory_space<hbm>>) dst(%arg9 : memref<200xi32, #tpu.memory_space<vmem>>)
      tpu.yield
    }) : () -> ()
    %dma_start3A = arith.constant 0 : i32
    %dma_start3A_7 = arith.constant 0 : i32
    %dma_start3A_8 = tpu.memref_slice %arg18[%dma_start3A, %dma_start3A_7] : memref<30x128xf32, #tpu.memory_space<vmem_shared>> -> memref<30x128xf32, #tpu.memory_space<vmem_shared>>
    tpu.enqueue_indirect_dma source(%dma_start3A_8 : memref<30x128xf32, #tpu.memory_space<vmem_shared>>) target(%arg11 : memref<200x128xf32, #tpu.memory_space<vmem>>) offsets(%arg7 : memref<200xi32, #tpu.memory_space<vmem>>) semaphore(%arg15 : memref<!tpu.dma_semaphore, #tpu.memory_space<semaphore_mem>>)
    %dma_start3A_9 = arith.constant 0 : i32
    %dma_start3A_10 = arith.constant 0 : i32
    %dma_start3A_11 = tpu.memref_slice %arg19[%dma_start3A_9, %dma_start3A_10] : memref<30x128xf32, #tpu.memory_space<vmem_shared>> -> memref<30x128xf32, #tpu.memory_space<vmem_shared>>
    tpu.enqueue_indirect_dma source(%dma_start3A_11 : memref<30x128xf32, #tpu.memory_space<vmem_shared>>) target(%arg13 : memref<200x128xf32, #tpu.memory_space<vmem>>) offsets(%arg9 : memref<200xi32, #tpu.memory_space<vmem>>) semaphore(%arg15 : memref<!tpu.dma_semaphore, #tpu.memory_space<semaphore_mem>>)
    %scan3A = arith.constant 0 : i32
    %scan3A_12 = arith.constant 0 : i32
    %scan3A_13 = arith.constant 63 : i32
    %scan3A_14 = arith.addi %scan3A_12, %scan3A_13 : i32
    %scan3A_15 = arith.constant 1 : i32
    scf.for %scan3A_72 = %scan3A_12 to %scan3A_14 step %scan3A_15  : i32 {
      %mul3A_73 = arith.constant 2 : i32
      %mul3A_74 = arith.muli %mul3A_73, %scan3A_72 : i32
      %dma_wait3A_75 = arith.constant 0 : i32
      %dma_wait3A_76 = arith.constant 0 : i32
      %dma_wait3A_77 = tpu.memref_slice %arg18[%dma_wait3A_75, %dma_wait3A_76] : memref<30x128xf32, #tpu.memory_space<vmem_shared>> -> memref<30x128xf32, #tpu.memory_space<vmem_shared>>
      tpu.wait_indirect_dma semaphore(%arg15 : memref<!tpu.dma_semaphore, #tpu.memory_space<semaphore_mem>>) src(%dma_wait3A_77 : memref<30x128xf32, #tpu.memory_space<vmem_shared>>) dst(%arg11 : memref<200x128xf32, #tpu.memory_space<vmem>>)
      %dma_wait3A_78 = arith.constant 0 : i32
      %dma_wait3A_79 = arith.constant 0 : i32
      %dma_wait3A_80 = tpu.memref_slice %arg19[%dma_wait3A_78, %dma_wait3A_79] : memref<30x128xf32, #tpu.memory_space<vmem_shared>> -> memref<30x128xf32, #tpu.memory_space<vmem_shared>>
      tpu.wait_indirect_dma semaphore(%arg15 : memref<!tpu.dma_semaphore, #tpu.memory_space<semaphore_mem>>) src(%dma_wait3A_80 : memref<30x128xf32, #tpu.memory_space<vmem_shared>>) dst(%arg13 : memref<200x128xf32, #tpu.memory_space<vmem>>)
      %add3A_81 = arith.constant 1 : i32
      %add3A_82 = arith.addi %mul3A_74, %add3A_81 : i32
      %mul3A_83 = arith.constant 200 : i32
      %mul3A_84 = arith.muli %add3A_82, %mul3A_83 : i32
      %add3A_85 = arith.addi %mul3A_2, %mul3A_84 : i32
      "tpu.region"() ({
        %run_scoped3A = tpu.sem_alloc : memref<!tpu.dma_semaphore, #tpu.memory_space<semaphore_mem>>
        %dma_start3A_151 = tpu.memref_slice %arg2[%add3A_85] : memref<819200xi32, #tpu.memory_space<hbm>> -> memref<200xi32, #tpu.memory_space<hbm>>
        %dma_start3A_152 = tpu.memref_slice %arg2[%add3A_85] : memref<819200xi32, #tpu.memory_space<hbm>> -> memref<200xi32, #tpu.memory_space<hbm>>
        tpu.enqueue_dma source(%dma_start3A_152 : memref<200xi32, #tpu.memory_space<hbm>>) target(%arg8 : memref<200xi32, #tpu.memory_space<vmem>>) target_semaphore(%run_scoped3A : memref<!tpu.dma_semaphore, #tpu.memory_space<semaphore_mem>>)
        %dma_wait3A_153 = tpu.memref_slice %arg2[%add3A_85] : memref<819200xi32, #tpu.memory_space<hbm>> -> memref<200xi32, #tpu.memory_space<hbm>>
        %dma_wait3A_154 = tpu.memref_slice %arg2[%add3A_85] : memref<819200xi32, #tpu.memory_space<hbm>> -> memref<200xi32, #tpu.memory_space<hbm>>
        tpu.wait_dma2 semaphore(%run_scoped3A : memref<!tpu.dma_semaphore, #tpu.memory_space<semaphore_mem>>) src(%dma_wait3A_154 : memref<200xi32, #tpu.memory_space<hbm>>) dst(%arg8 : memref<200xi32, #tpu.memory_space<vmem>>)
        tpu.yield
      }) : () -> ()
      "tpu.region"() ({
        %run_scoped3A = tpu.sem_alloc : memref<!tpu.dma_semaphore, #tpu.memory_space<semaphore_mem>>
        %dma_start3A_151 = tpu.memref_slice %arg3[%add3A_85] : memref<819200xi32, #tpu.memory_space<hbm>> -> memref<200xi32, #tpu.memory_space<hbm>>
        %dma_start3A_152 = tpu.memref_slice %arg3[%add3A_85] : memref<819200xi32, #tpu.memory_space<hbm>> -> memref<200xi32, #tpu.memory_space<hbm>>
        tpu.enqueue_dma source(%dma_start3A_152 : memref<200xi32, #tpu.memory_space<hbm>>) target(%arg10 : memref<200xi32, #tpu.memory_space<vmem>>) target_semaphore(%run_scoped3A : memref<!tpu.dma_semaphore, #tpu.memory_space<semaphore_mem>>)
        %dma_wait3A_153 = tpu.memref_slice %arg3[%add3A_85] : memref<819200xi32, #tpu.memory_space<hbm>> -> memref<200xi32, #tpu.memory_space<hbm>>
        %dma_wait3A_154 = tpu.memref_slice %arg3[%add3A_85] : memref<819200xi32, #tpu.memory_space<hbm>> -> memref<200xi32, #tpu.memory_space<hbm>>
        tpu.wait_dma2 semaphore(%run_scoped3A : memref<!tpu.dma_semaphore, #tpu.memory_space<semaphore_mem>>) src(%dma_wait3A_154 : memref<200xi32, #tpu.memory_space<hbm>>) dst(%arg10 : memref<200xi32, #tpu.memory_space<vmem>>)
        tpu.yield
      }) : () -> ()
      %dma_start3A_86 = arith.constant 0 : i32
      %dma_start3A_87 = arith.constant 0 : i32
      %dma_start3A_88 = tpu.memref_slice %arg18[%dma_start3A_86, %dma_start3A_87] : memref<30x128xf32, #tpu.memory_space<vmem_shared>> -> memref<30x128xf32, #tpu.memory_space<vmem_shared>>
      tpu.enqueue_indirect_dma source(%dma_start3A_88 : memref<30x128xf32, #tpu.memory_space<vmem_shared>>) target(%arg12 : memref<200x128xf32, #tpu.memory_space<vmem>>) offsets(%arg8 : memref<200xi32, #tpu.memory_space<vmem>>) semaphore(%arg16 : memref<!tpu.dma_semaphore, #tpu.memory_space<semaphore_mem>>)
      %dma_start3A_89 = arith.constant 0 : i32
      %dma_start3A_90 = arith.constant 0 : i32
      %dma_start3A_91 = tpu.memref_slice %arg19[%dma_start3A_89, %dma_start3A_90] : memref<30x128xf32, #tpu.memory_space<vmem_shared>> -> memref<30x128xf32, #tpu.memory_space<vmem_shared>>
      tpu.enqueue_indirect_dma source(%dma_start3A_91 : memref<30x128xf32, #tpu.memory_space<vmem_shared>>) target(%arg14 : memref<200x128xf32, #tpu.memory_space<vmem>>) offsets(%arg10 : memref<200xi32, #tpu.memory_space<vmem>>) semaphore(%arg16 : memref<!tpu.dma_semaphore, #tpu.memory_space<semaphore_mem>>)
      %mul3A_92 = arith.constant 200 : i32
      %mul3A_93 = arith.muli %mul3A_74, %mul3A_92 : i32
      %add3A_94 = arith.addi %mul3A_2, %mul3A_93 : i32
      %dma_start3A_95 = arith.constant 0 : i32
      %dma_start3A_96 = tpu.memref_slice %arg6[%add3A_94, %dma_start3A_95] : memref<819200x256xf32, #tpu.memory_space<hbm>> -> memref<200x128xf32, #tpu.memory_space<hbm>>
      %dma_start3A_97 = arith.constant 0 : i32
      %dma_start3A_98 = tpu.memref_slice %arg6[%add3A_94, %dma_start3A_97] : memref<819200x256xf32, #tpu.memory_space<hbm>> -> memref<200x128xf32, #tpu.memory_space<hbm>>
      tpu.enqueue_dma source(%arg11 : memref<200x128xf32, #tpu.memory_space<vmem>>) target(%dma_start3A_98 : memref<200x128xf32, #tpu.memory_space<hbm>>) target_semaphore(%arg17 : memref<!tpu.dma_semaphore, #tpu.memory_space<semaphore_mem>>)
      %dma_start3A_99 = arith.constant 128 : i32
      %dma_start3A_100 = tpu.memref_slice %arg6[%add3A_94, %dma_start3A_99] : memref<819200x256xf32, #tpu.memory_space<hbm>> -> memref<200x128xf32, #tpu.memory_space<hbm>>
      %dma_start3A_101 = arith.constant 128 : i32
      %dma_start3A_102 = tpu.memref_slice %arg6[%add3A_94, %dma_start3A_101] : memref<819200x256xf32, #tpu.memory_space<hbm>> -> memref<200x128xf32, #tpu.memory_space<hbm>>
      tpu.enqueue_dma source(%arg13 : memref<200x128xf32, #tpu.memory_space<vmem>>) target(%dma_start3A_102 : memref<200x128xf32, #tpu.memory_space<hbm>>) target_semaphore(%arg17 : memref<!tpu.dma_semaphore, #tpu.memory_space<semaphore_mem>>)
      %dma_wait3A_103 = arith.constant 0 : i32
      %dma_wait3A_104 = tpu.memref_slice %arg6[%add3A_94, %dma_wait3A_103] : memref<819200x256xf32, #tpu.memory_space<hbm>> -> memref<200x128xf32, #tpu.memory_space<hbm>>
      %dma_wait3A_105 = arith.constant 0 : i32
      %dma_wait3A_106 = tpu.memref_slice %arg6[%add3A_94, %dma_wait3A_105] : memref<819200x256xf32, #tpu.memory_space<hbm>> -> memref<200x128xf32, #tpu.memory_space<hbm>>
      tpu.wait_dma2 semaphore(%arg17 : memref<!tpu.dma_semaphore, #tpu.memory_space<semaphore_mem>>) src(%arg11 : memref<200x128xf32, #tpu.memory_space<vmem>>) dst(%dma_wait3A_106 : memref<200x128xf32, #tpu.memory_space<hbm>>)
      %dma_wait3A_107 = arith.constant 128 : i32
      %dma_wait3A_108 = tpu.memref_slice %arg6[%add3A_94, %dma_wait3A_107] : memref<819200x256xf32, #tpu.memory_space<hbm>> -> memref<200x128xf32, #tpu.memory_space<hbm>>
      %dma_wait3A_109 = arith.constant 128 : i32
      %dma_wait3A_110 = tpu.memref_slice %arg6[%add3A_94, %dma_wait3A_109] : memref<819200x256xf32, #tpu.memory_space<hbm>> -> memref<200x128xf32, #tpu.memory_space<hbm>>
      tpu.wait_dma2 semaphore(%arg17 : memref<!tpu.dma_semaphore, #tpu.memory_space<semaphore_mem>>) src(%arg13 : memref<200x128xf32, #tpu.memory_space<vmem>>) dst(%dma_wait3A_110 : memref<200x128xf32, #tpu.memory_space<hbm>>)
      %mul3A_111 = arith.constant 2 : i32
      %mul3A_112 = arith.muli %mul3A_111, %scan3A_72 : i32
      %add3A_113 = arith.constant 1 : i32
      %add3A_114 = arith.addi %mul3A_112, %add3A_113 : i32
      %dma_wait3A_115 = arith.constant 0 : i32
      %dma_wait3A_116 = arith.constant 0 : i32
      %dma_wait3A_117 = tpu.memref_slice %arg18[%dma_wait3A_115, %dma_wait3A_116] : memref<30x128xf32, #tpu.memory_space<vmem_shared>> -> memref<30x128xf32, #tpu.memory_space<vmem_shared>>
      tpu.wait_indirect_dma semaphore(%arg16 : memref<!tpu.dma_semaphore, #tpu.memory_space<semaphore_mem>>) src(%dma_wait3A_117 : memref<30x128xf32, #tpu.memory_space<vmem_shared>>) dst(%arg12 : memref<200x128xf32, #tpu.memory_space<vmem>>)
      %dma_wait3A_118 = arith.constant 0 : i32
      %dma_wait3A_119 = arith.constant 0 : i32
      %dma_wait3A_120 = tpu.memref_slice %arg19[%dma_wait3A_118, %dma_wait3A_119] : memref<30x128xf32, #tpu.memory_space<vmem_shared>> -> memref<30x128xf32, #tpu.memory_space<vmem_shared>>
      tpu.wait_indirect_dma semaphore(%arg16 : memref<!tpu.dma_semaphore, #tpu.memory_space<semaphore_mem>>) src(%dma_wait3A_120 : memref<30x128xf32, #tpu.memory_space<vmem_shared>>) dst(%arg14 : memref<200x128xf32, #tpu.memory_space<vmem>>)
      %add3A_121 = arith.constant 1 : i32
      %add3A_122 = arith.addi %add3A_114, %add3A_121 : i32
      %mul3A_123 = arith.constant 200 : i32
      %mul3A_124 = arith.muli %add3A_122, %mul3A_123 : i32
      %add3A_125 = arith.addi %mul3A_2, %mul3A_124 : i32
      "tpu.region"() ({
        %run_scoped3A = tpu.sem_alloc : memref<!tpu.dma_semaphore, #tpu.memory_space<semaphore_mem>>
        %dma_start3A_151 = tpu.memref_slice %arg2[%add3A_125] : memref<819200xi32, #tpu.memory_space<hbm>> -> memref<200xi32, #tpu.memory_space<hbm>>
        %dma_start3A_152 = tpu.memref_slice %arg2[%add3A_125] : memref<819200xi32, #tpu.memory_space<hbm>> -> memref<200xi32, #tpu.memory_space<hbm>>
        tpu.enqueue_dma source(%dma_start3A_152 : memref<200xi32, #tpu.memory_space<hbm>>) target(%arg7 : memref<200xi32, #tpu.memory_space<vmem>>) target_semaphore(%run_scoped3A : memref<!tpu.dma_semaphore, #tpu.memory_space<semaphore_mem>>)
        %dma_wait3A_153 = tpu.memref_slice %arg2[%add3A_125] : memref<819200xi32, #tpu.memory_space<hbm>> -> memref<200xi32, #tpu.memory_space<hbm>>
        %dma_wait3A_154 = tpu.memref_slice %arg2[%add3A_125] : memref<819200xi32, #tpu.memory_space<hbm>> -> memref<200xi32, #tpu.memory_space<hbm>>
        tpu.wait_dma2 semaphore(%run_scoped3A : memref<!tpu.dma_semaphore, #tpu.memory_space<semaphore_mem>>) src(%dma_wait3A_154 : memref<200xi32, #tpu.memory_space<hbm>>) dst(%arg7 : memref<200xi32, #tpu.memory_space<vmem>>)
        tpu.yield
      }) : () -> ()
      "tpu.region"() ({
        %run_scoped3A = tpu.sem_alloc : memref<!tpu.dma_semaphore, #tpu.memory_space<semaphore_mem>>
        %dma_start3A_151 = tpu.memref_slice %arg3[%add3A_125] : memref<819200xi32, #tpu.memory_space<hbm>> -> memref<200xi32, #tpu.memory_space<hbm>>
        %dma_start3A_152 = tpu.memref_slice %arg3[%add3A_125] : memref<819200xi32, #tpu.memory_space<hbm>> -> memref<200xi32, #tpu.memory_space<hbm>>
        tpu.enqueue_dma source(%dma_start3A_152 : memref<200xi32, #tpu.memory_space<hbm>>) target(%arg9 : memref<200xi32, #tpu.memory_space<vmem>>) target_semaphore(%run_scoped3A : memref<!tpu.dma_semaphore, #tpu.memory_space<semaphore_mem>>)
        %dma_wait3A_153 = tpu.memref_slice %arg3[%add3A_125] : memref<819200xi32, #tpu.memory_space<hbm>> -> memref<200xi32, #tpu.memory_space<hbm>>
        %dma_wait3A_154 = tpu.memref_slice %arg3[%add3A_125] : memref<819200xi32, #tpu.memory_space<hbm>> -> memref<200xi32, #tpu.memory_space<hbm>>
        tpu.wait_dma2 semaphore(%run_scoped3A : memref<!tpu.dma_semaphore, #tpu.memory_space<semaphore_mem>>) src(%dma_wait3A_154 : memref<200xi32, #tpu.memory_space<hbm>>) dst(%arg9 : memref<200xi32, #tpu.memory_space<vmem>>)
        tpu.yield
      }) : () -> ()
      %dma_start3A_126 = arith.constant 0 : i32
      %dma_start3A_127 = arith.constant 0 : i32
      %dma_start3A_128 = tpu.memref_slice %arg18[%dma_start3A_126, %dma_start3A_127] : memref<30x128xf32, #tpu.memory_space<vmem_shared>> -> memref<30x128xf32, #tpu.memory_space<vmem_shared>>
      tpu.enqueue_indirect_dma source(%dma_start3A_128 : memref<30x128xf32, #tpu.memory_space<vmem_shared>>) target(%arg11 : memref<200x128xf32, #tpu.memory_space<vmem>>) offsets(%arg7 : memref<200xi32, #tpu.memory_space<vmem>>) semaphore(%arg15 : memref<!tpu.dma_semaphore, #tpu.memory_space<semaphore_mem>>)
      %dma_start3A_129 = arith.constant 0 : i32
      %dma_start3A_130 = arith.constant 0 : i32
      %dma_start3A_131 = tpu.memref_slice %arg19[%dma_start3A_129, %dma_start3A_130] : memref<30x128xf32, #tpu.memory_space<vmem_shared>> -> memref<30x128xf32, #tpu.memory_space<vmem_shared>>
      tpu.enqueue_indirect_dma source(%dma_start3A_131 : memref<30x128xf32, #tpu.memory_space<vmem_shared>>) target(%arg13 : memref<200x128xf32, #tpu.memory_space<vmem>>) offsets(%arg9 : memref<200xi32, #tpu.memory_space<vmem>>) semaphore(%arg15 : memref<!tpu.dma_semaphore, #tpu.memory_space<semaphore_mem>>)
      %mul3A_132 = arith.constant 200 : i32
      %mul3A_133 = arith.muli %add3A_114, %mul3A_132 : i32
      %add3A_134 = arith.addi %mul3A_2, %mul3A_133 : i32
      %dma_start3A_135 = arith.constant 0 : i32
      %dma_start3A_136 = tpu.memref_slice %arg6[%add3A_134, %dma_start3A_135] : memref<819200x256xf32, #tpu.memory_space<hbm>> -> memref<200x128xf32, #tpu.memory_space<hbm>>
      %dma_start3A_137 = arith.constant 0 : i32
      %dma_start3A_138 = tpu.memref_slice %arg6[%add3A_134, %dma_start3A_137] : memref<819200x256xf32, #tpu.memory_space<hbm>> -> memref<200x128xf32, #tpu.memory_space<hbm>>
      tpu.enqueue_dma source(%arg12 : memref<200x128xf32, #tpu.memory_space<vmem>>) target(%dma_start3A_138 : memref<200x128xf32, #tpu.memory_space<hbm>>) target_semaphore(%arg17 : memref<!tpu.dma_semaphore, #tpu.memory_space<semaphore_mem>>)
      %dma_start3A_139 = arith.constant 128 : i32
      %dma_start3A_140 = tpu.memref_slice %arg6[%add3A_134, %dma_start3A_139] : memref<819200x256xf32, #tpu.memory_space<hbm>> -> memref<200x128xf32, #tpu.memory_space<hbm>>
      %dma_start3A_141 = arith.constant 128 : i32
      %dma_start3A_142 = tpu.memref_slice %arg6[%add3A_134, %dma_start3A_141] : memref<819200x256xf32, #tpu.memory_space<hbm>> -> memref<200x128xf32, #tpu.memory_space<hbm>>
      tpu.enqueue_dma source(%arg14 : memref<200x128xf32, #tpu.memory_space<vmem>>) target(%dma_start3A_142 : memref<200x128xf32, #tpu.memory_space<hbm>>) target_semaphore(%arg17 : memref<!tpu.dma_semaphore, #tpu.memory_space<semaphore_mem>>)
      %dma_wait3A_143 = arith.constant 0 : i32
      %dma_wait3A_144 = tpu.memref_slice %arg6[%add3A_134, %dma_wait3A_143] : memref<819200x256xf32, #tpu.memory_space<hbm>> -> memref<200x128xf32, #tpu.memory_space<hbm>>
      %dma_wait3A_145 = arith.constant 0 : i32
      %dma_wait3A_146 = tpu.memref_slice %arg6[%add3A_134, %dma_wait3A_145] : memref<819200x256xf32, #tpu.memory_space<hbm>> -> memref<200x128xf32, #tpu.memory_space<hbm>>
      tpu.wait_dma2 semaphore(%arg17 : memref<!tpu.dma_semaphore, #tpu.memory_space<semaphore_mem>>) src(%arg12 : memref<200x128xf32, #tpu.memory_space<vmem>>) dst(%dma_wait3A_146 : memref<200x128xf32, #tpu.memory_space<hbm>>)
      %dma_wait3A_147 = arith.constant 128 : i32
      %dma_wait3A_148 = tpu.memref_slice %arg6[%add3A_134, %dma_wait3A_147] : memref<819200x256xf32, #tpu.memory_space<hbm>> -> memref<200x128xf32, #tpu.memory_space<hbm>>
      %dma_wait3A_149 = arith.constant 128 : i32
      %dma_wait3A_150 = tpu.memref_slice %arg6[%add3A_134, %dma_wait3A_149] : memref<819200x256xf32, #tpu.memory_space<hbm>> -> memref<200x128xf32, #tpu.memory_space<hbm>>
      tpu.wait_dma2 semaphore(%arg17 : memref<!tpu.dma_semaphore, #tpu.memory_space<semaphore_mem>>) src(%arg14 : memref<200x128xf32, #tpu.memory_space<vmem>>) dst(%dma_wait3A_150 : memref<200x128xf32, #tpu.memory_space<hbm>>)
    }
    %scan3A_16 = arith.constant 63 : i32
    %dma_wait3A = arith.constant 0 : i32
    %dma_wait3A_17 = arith.constant 0 : i32
    %dma_wait3A_18 = tpu.memref_slice %arg18[%dma_wait3A, %dma_wait3A_17] : memref<30x128xf32, #tpu.memory_space<vmem_shared>> -> memref<30x128xf32, #tpu.memory_space<vmem_shared>>
    tpu.wait_indirect_dma semaphore(%arg15 : memref<!tpu.dma_semaphore, #tpu.memory_space<semaphore_mem>>) src(%dma_wait3A_18 : memref<30x128xf32, #tpu.memory_space<vmem_shared>>) dst(%arg11 : memref<200x128xf32, #tpu.memory_space<vmem>>)
    %dma_wait3A_19 = arith.constant 0 : i32
    %dma_wait3A_20 = arith.constant 0 : i32
    %dma_wait3A_21 = tpu.memref_slice %arg19[%dma_wait3A_19, %dma_wait3A_20] : memref<30x128xf32, #tpu.memory_space<vmem_shared>> -> memref<30x128xf32, #tpu.memory_space<vmem_shared>>
    tpu.wait_indirect_dma semaphore(%arg15 : memref<!tpu.dma_semaphore, #tpu.memory_space<semaphore_mem>>) src(%dma_wait3A_21 : memref<30x128xf32, #tpu.memory_space<vmem_shared>>) dst(%arg13 : memref<200x128xf32, #tpu.memory_space<vmem>>)
    %add3A_22 = arith.constant 25400 : i32
    %add3A_23 = arith.addi %mul3A_2, %add3A_22 : i32
    "tpu.region"() ({
      %run_scoped3A = tpu.sem_alloc : memref<!tpu.dma_semaphore, #tpu.memory_space<semaphore_mem>>
      %dma_start3A_72 = tpu.memref_slice %arg2[%add3A_23] : memref<819200xi32, #tpu.memory_space<hbm>> -> memref<200xi32, #tpu.memory_space<hbm>>
      %dma_start3A_73 = tpu.memref_slice %arg2[%add3A_23] : memref<819200xi32, #tpu.memory_space<hbm>> -> memref<200xi32, #tpu.memory_space<hbm>>
      tpu.enqueue_dma source(%dma_start3A_73 : memref<200xi32, #tpu.memory_space<hbm>>) target(%arg8 : memref<200xi32, #tpu.memory_space<vmem>>) target_semaphore(%run_scoped3A : memref<!tpu.dma_semaphore, #tpu.memory_space<semaphore_mem>>)
      %dma_wait3A_74 = tpu.memref_slice %arg2[%add3A_23] : memref<819200xi32, #tpu.memory_space<hbm>> -> memref<200xi32, #tpu.memory_space<hbm>>
      %dma_wait3A_75 = tpu.memref_slice %arg2[%add3A_23] : memref<819200xi32, #tpu.memory_space<hbm>> -> memref<200xi32, #tpu.memory_space<hbm>>
      tpu.wait_dma2 semaphore(%run_scoped3A : memref<!tpu.dma_semaphore, #tpu.memory_space<semaphore_mem>>) src(%dma_wait3A_75 : memref<200xi32, #tpu.memory_space<hbm>>) dst(%arg8 : memref<200xi32, #tpu.memory_space<vmem>>)
      tpu.yield
    }) : () -> ()
    "tpu.region"() ({
      %run_scoped3A = tpu.sem_alloc : memref<!tpu.dma_semaphore, #tpu.memory_space<semaphore_mem>>
      %dma_start3A_72 = tpu.memref_slice %arg3[%add3A_23] : memref<819200xi32, #tpu.memory_space<hbm>> -> memref<200xi32, #tpu.memory_space<hbm>>
      %dma_start3A_73 = tpu.memref_slice %arg3[%add3A_23] : memref<819200xi32, #tpu.memory_space<hbm>> -> memref<200xi32, #tpu.memory_space<hbm>>
      tpu.enqueue_dma source(%dma_start3A_73 : memref<200xi32, #tpu.memory_space<hbm>>) target(%arg10 : memref<200xi32, #tpu.memory_space<vmem>>) target_semaphore(%run_scoped3A : memref<!tpu.dma_semaphore, #tpu.memory_space<semaphore_mem>>)
      %dma_wait3A_74 = tpu.memref_slice %arg3[%add3A_23] : memref<819200xi32, #tpu.memory_space<hbm>> -> memref<200xi32, #tpu.memory_space<hbm>>
      %dma_wait3A_75 = tpu.memref_slice %arg3[%add3A_23] : memref<819200xi32, #tpu.memory_space<hbm>> -> memref<200xi32, #tpu.memory_space<hbm>>
      tpu.wait_dma2 semaphore(%run_scoped3A : memref<!tpu.dma_semaphore, #tpu.memory_space<semaphore_mem>>) src(%dma_wait3A_75 : memref<200xi32, #tpu.memory_space<hbm>>) dst(%arg10 : memref<200xi32, #tpu.memory_space<vmem>>)
      tpu.yield
    }) : () -> ()
    %dma_start3A_24 = arith.constant 0 : i32
    %dma_start3A_25 = arith.constant 0 : i32
    %dma_start3A_26 = tpu.memref_slice %arg18[%dma_start3A_24, %dma_start3A_25] : memref<30x128xf32, #tpu.memory_space<vmem_shared>> -> memref<30x128xf32, #tpu.memory_space<vmem_shared>>
    tpu.enqueue_indirect_dma source(%dma_start3A_26 : memref<30x128xf32, #tpu.memory_space<vmem_shared>>) target(%arg12 : memref<200x128xf32, #tpu.memory_space<vmem>>) offsets(%arg8 : memref<200xi32, #tpu.memory_space<vmem>>) semaphore(%arg16 : memref<!tpu.dma_semaphore, #tpu.memory_space<semaphore_mem>>)
    %dma_start3A_27 = arith.constant 0 : i32
    %dma_start3A_28 = arith.constant 0 : i32
    %dma_start3A_29 = tpu.memref_slice %arg19[%dma_start3A_27, %dma_start3A_28] : memref<30x128xf32, #tpu.memory_space<vmem_shared>> -> memref<30x128xf32, #tpu.memory_space<vmem_shared>>
    tpu.enqueue_indirect_dma source(%dma_start3A_29 : memref<30x128xf32, #tpu.memory_space<vmem_shared>>) target(%arg14 : memref<200x128xf32, #tpu.memory_space<vmem>>) offsets(%arg10 : memref<200xi32, #tpu.memory_space<vmem>>) semaphore(%arg16 : memref<!tpu.dma_semaphore, #tpu.memory_space<semaphore_mem>>)
    %add3A_30 = arith.constant 25200 : i32
    %add3A_31 = arith.addi %mul3A_2, %add3A_30 : i32
    %dma_start3A_32 = arith.constant 0 : i32
    %dma_start3A_33 = tpu.memref_slice %arg6[%add3A_31, %dma_start3A_32] : memref<819200x256xf32, #tpu.memory_space<hbm>> -> memref<200x128xf32, #tpu.memory_space<hbm>>
    %dma_start3A_34 = arith.constant 0 : i32
    %dma_start3A_35 = tpu.memref_slice %arg6[%add3A_31, %dma_start3A_34] : memref<819200x256xf32, #tpu.memory_space<hbm>> -> memref<200x128xf32, #tpu.memory_space<hbm>>
    tpu.enqueue_dma source(%arg11 : memref<200x128xf32, #tpu.memory_space<vmem>>) target(%dma_start3A_35 : memref<200x128xf32, #tpu.memory_space<hbm>>) target_semaphore(%arg17 : memref<!tpu.dma_semaphore, #tpu.memory_space<semaphore_mem>>)
    %dma_start3A_36 = arith.constant 128 : i32
    %dma_start3A_37 = tpu.memref_slice %arg6[%add3A_31, %dma_start3A_36] : memref<819200x256xf32, #tpu.memory_space<hbm>> -> memref<200x128xf32, #tpu.memory_space<hbm>>
    %dma_start3A_38 = arith.constant 128 : i32
    %dma_start3A_39 = tpu.memref_slice %arg6[%add3A_31, %dma_start3A_38] : memref<819200x256xf32, #tpu.memory_space<hbm>> -> memref<200x128xf32, #tpu.memory_space<hbm>>
    tpu.enqueue_dma source(%arg13 : memref<200x128xf32, #tpu.memory_space<vmem>>) target(%dma_start3A_39 : memref<200x128xf32, #tpu.memory_space<hbm>>) target_semaphore(%arg17 : memref<!tpu.dma_semaphore, #tpu.memory_space<semaphore_mem>>)
    %dma_wait3A_40 = arith.constant 0 : i32
    %dma_wait3A_41 = tpu.memref_slice %arg6[%add3A_31, %dma_wait3A_40] : memref<819200x256xf32, #tpu.memory_space<hbm>> -> memref<200x128xf32, #tpu.memory_space<hbm>>
    %dma_wait3A_42 = arith.constant 0 : i32
    %dma_wait3A_43 = tpu.memref_slice %arg6[%add3A_31, %dma_wait3A_42] : memref<819200x256xf32, #tpu.memory_space<hbm>> -> memref<200x128xf32, #tpu.memory_space<hbm>>
    tpu.wait_dma2 semaphore(%arg17 : memref<!tpu.dma_semaphore, #tpu.memory_space<semaphore_mem>>) src(%arg11 : memref<200x128xf32, #tpu.memory_space<vmem>>) dst(%dma_wait3A_43 : memref<200x128xf32, #tpu.memory_space<hbm>>)
    %dma_wait3A_44 = arith.constant 128 : i32
    %dma_wait3A_45 = tpu.memref_slice %arg6[%add3A_31, %dma_wait3A_44] : memref<819200x256xf32, #tpu.memory_space<hbm>> -> memref<200x128xf32, #tpu.memory_space<hbm>>
    %dma_wait3A_46 = arith.constant 128 : i32
    %dma_wait3A_47 = tpu.memref_slice %arg6[%add3A_31, %dma_wait3A_46] : memref<819200x256xf32, #tpu.memory_space<hbm>> -> memref<200x128xf32, #tpu.memory_space<hbm>>
    tpu.wait_dma2 semaphore(%arg17 : memref<!tpu.dma_semaphore, #tpu.memory_space<semaphore_mem>>) src(%arg13 : memref<200x128xf32, #tpu.memory_space<vmem>>) dst(%dma_wait3A_47 : memref<200x128xf32, #tpu.memory_space<hbm>>)
    %dma_wait3A_48 = arith.constant 0 : i32
    %dma_wait3A_49 = arith.constant 0 : i32
    %dma_wait3A_50 = tpu.memref_slice %arg18[%dma_wait3A_48, %dma_wait3A_49] : memref<30x128xf32, #tpu.memory_space<vmem_shared>> -> memref<30x128xf32, #tpu.memory_space<vmem_shared>>
    tpu.wait_indirect_dma semaphore(%arg16 : memref<!tpu.dma_semaphore, #tpu.memory_space<semaphore_mem>>) src(%dma_wait3A_50 : memref<30x128xf32, #tpu.memory_space<vmem_shared>>) dst(%arg12 : memref<200x128xf32, #tpu.memory_space<vmem>>)
    %dma_wait3A_51 = arith.constant 0 : i32
    %dma_wait3A_52 = arith.constant 0 : i32
    %dma_wait3A_53 = tpu.memref_slice %arg19[%dma_wait3A_51, %dma_wait3A_52] : memref<30x128xf32, #tpu.memory_space<vmem_shared>> -> memref<30x128xf32, #tpu.memory_space<vmem_shared>>
    tpu.wait_indirect_dma semaphore(%arg16 : memref<!tpu.dma_semaphore, #tpu.memory_space<semaphore_mem>>) src(%dma_wait3A_53 : memref<30x128xf32, #tpu.memory_space<vmem_shared>>) dst(%arg14 : memref<200x128xf32, #tpu.memory_space<vmem>>)
    %add3A_54 = arith.constant 25400 : i32
    %add3A_55 = arith.addi %mul3A_2, %add3A_54 : i32
    %dma_start3A_56 = arith.constant 0 : i32
    %dma_start3A_57 = tpu.memref_slice %arg6[%add3A_55, %dma_start3A_56] : memref<819200x256xf32, #tpu.memory_space<hbm>> -> memref<200x128xf32, #tpu.memory_space<hbm>>
    %dma_start3A_58 = arith.constant 0 : i32
    %dma_start3A_59 = tpu.memref_slice %arg6[%add3A_55, %dma_start3A_58] : memref<819200x256xf32, #tpu.memory_space<hbm>> -> memref<200x128xf32, #tpu.memory_space<hbm>>
    tpu.enqueue_dma source(%arg12 : memref<200x128xf32, #tpu.memory_space<vmem>>) target(%dma_start3A_59 : memref<200x128xf32, #tpu.memory_space<hbm>>) target_semaphore(%arg17 : memref<!tpu.dma_semaphore, #tpu.memory_space<semaphore_mem>>)
    %dma_start3A_60 = arith.constant 128 : i32
    %dma_start3A_61 = tpu.memref_slice %arg6[%add3A_55, %dma_start3A_60] : memref<819200x256xf32, #tpu.memory_space<hbm>> -> memref<200x128xf32, #tpu.memory_space<hbm>>
    %dma_start3A_62 = arith.constant 128 : i32
    %dma_start3A_63 = tpu.memref_slice %arg6[%add3A_55, %dma_start3A_62] : memref<819200x256xf32, #tpu.memory_space<hbm>> -> memref<200x128xf32, #tpu.memory_space<hbm>>
    tpu.enqueue_dma source(%arg14 : memref<200x128xf32, #tpu.memory_space<vmem>>) target(%dma_start3A_63 : memref<200x128xf32, #tpu.memory_space<hbm>>) target_semaphore(%arg17 : memref<!tpu.dma_semaphore, #tpu.memory_space<semaphore_mem>>)
    %dma_wait3A_64 = arith.constant 0 : i32
    %dma_wait3A_65 = tpu.memref_slice %arg6[%add3A_55, %dma_wait3A_64] : memref<819200x256xf32, #tpu.memory_space<hbm>> -> memref<200x128xf32, #tpu.memory_space<hbm>>
    %dma_wait3A_66 = arith.constant 0 : i32
    %dma_wait3A_67 = tpu.memref_slice %arg6[%add3A_55, %dma_wait3A_66] : memref<819200x256xf32, #tpu.memory_space<hbm>> -> memref<200x128xf32, #tpu.memory_space<hbm>>
    tpu.wait_dma2 semaphore(%arg17 : memref<!tpu.dma_semaphore, #tpu.memory_space<semaphore_mem>>) src(%arg12 : memref<200x128xf32, #tpu.memory_space<vmem>>) dst(%dma_wait3A_67 : memref<200x128xf32, #tpu.memory_space<hbm>>)
    %dma_wait3A_68 = arith.constant 128 : i32
    %dma_wait3A_69 = tpu.memref_slice %arg6[%add3A_55, %dma_wait3A_68] : memref<819200x256xf32, #tpu.memory_space<hbm>> -> memref<200x128xf32, #tpu.memory_space<hbm>>
    %dma_wait3A_70 = arith.constant 128 : i32
    %dma_wait3A_71 = tpu.memref_slice %arg6[%add3A_55, %dma_wait3A_70] : memref<819200x256xf32, #tpu.memory_space<hbm>> -> memref<200x128xf32, #tpu.memory_space<hbm>>
    tpu.wait_dma2 semaphore(%arg17 : memref<!tpu.dma_semaphore, #tpu.memory_space<semaphore_mem>>) src(%arg14 : memref<200x128xf32, #tpu.memory_space<vmem>>) dst(%dma_wait3A_71 : memref<200x128xf32, #tpu.memory_space<hbm>>)
    return
  }
}

</mosaic_0001>

<sc_bundles>
// kernel: kernel.3.cloned.1.call-start
scs
__scs_entry_jumppad:
0x0: {  	(pc) =	sbr.rel $0x88, $3  }
0x1: {  	(tag) =	ssettag $0x0;
	lr =	simm.s32 $0x1  }
0x2: {  	[smem:$0x3F9D] =	sst lr;
	_ =	strace $0xD0000000  }
0x3: {  	_ = 	snop  }
0x4: {  	_ = 	snop  }
0x5: {  	_ = 	snop  }
0x6: {  	_ = 	snop  }
0x7: {  	_ = 	snop  }
__scs_overlays_trampoline_lowered:
0x8: {  	[smem:$0x3FAC] =	sst s0  }
0x9: {  	[smem:$0x3FAD] =	sst s1  }
0xa: {  	[smem:$0x3FAE] =	sst s2  }
0xb: {  	[smem:$0x3FAF] =	sst s3  }
0xc: {  	[smem:$0x3FB0] =	sst s4  }
0xd: {  	[smem:$0x3FB1] =	sst s5  }
0xe: {  	[smem:$0x3FB2] =	sst s6  }
0xf: {  	[smem:$0x3FB3] =	sst s7  }
0x10: {  	[smem:$0x3FB4] =	sst s8  }
0x11: {  	[smem:$0x3FB5] =	sst s9;
	s0 =	simm.s32 @!p0 $0x0  }
0x12: {  	s1 =	sld [smem:$0x3F9B];
	s0 =	simm.s32 @p0 $0x1  }
0x13: {  	[smem:$0x3FB6] =	sst s0;
	s0 =	simm.s32 @!p1 $0x0  }
0x14: {  	s2 =	sld [smem:$0x3F9A];
	s0 =	simm.s32 @p1 $0x1  }
0x15: {  	[smem:$0x3FB7] =	sst s0;
	s0 =	simm.s32 @!p2 $0x0  }
0x16: {  	s3 =	sld [smem:$0x3FDB];
	s0 =	simm.s32 @p2 $0x1  }
0x17: {  	s4 =	simm.s32 $0x1BF5;
	[smem:$0x3FB9] =	sst s0  }
0x18: {  	s0 =	sld [smem:$0x3F9C];
	_ =	swait.ge [sflag:s4], $0x0  }
0x19: {  	s7 =	sld [smem:$0x3F9D]  }
0x1a: {  	s8 =	sadd.s32 $0xFFFFE003, lr  }
0x1b: {  	s9 =	sadd.s32 $0xFFFFFEF7, lr;
	s5 =	simm.s32 $0xFFFFFFFF;
	p2 =	slt.u32 s8, $0xFFFFF086  }
0x1c: {  	p1 =	slt.u32 s9, $0xF7A;
	s5 =	simm.s32 @!p2 $0x0  }
0x1d: {  	s5 =	simm.s32 @p1 $0x1;
	p0 =	seq.s32 s7, s2  }
0x1e: {  	s7 =	smul.u32 @!p0 $0xF7A, s2;
	p2 =	seq.s32 @!p0 s5, $0x0  }
0x1f: {  	s9 =	smul.u32 $0xF7A, s1;
	s8 =	simm.s32 @!p0 $0x1BF5;
	p2 =	por !p2, p0  }
0x20: {  	[sflag:s8] =	ssyncset.s32 @!p0 $0xFFFFF086;
	s6 =	sadd.s32 @!p0 s3, s7;
	s7 =	simm.s32 @!p0 $0x108  }
0x21: {  	s3 =	sadd.s32 s3, s9;
	s6 =	sadd.s32 @!p0 $0x88, s6;
	s7 =	simm.s32 @p2 $0x1082  }
0x22: {  	[simem:s7], [sflag:s8] =	dma.local @!p0 [hbm:s6], $0xF7A  }
0x23: {  	s9 =	sor.u32 $0xD0000000, s2;
	s6 =	simm.s32 $0x108;
	_ =	swait.ge @!p0 [sflag:s8], $0x0  }
0x24: {  	s3 =	sadd.s32 $0x88, s3;
	s6 =	simm.s32 @!p1 $0x1082;
	[sflag:s4] =	ssyncset.s32 $0xFFFFF086  }
0x25: {  	[simem:s6], [sflag:s4] =	dma.local [hbm:s3], $0xF7A  }
0x26: {  	[smem:$0x3F9D] =	sst s1;
	(tag) =	ssettag s2;
	_ =	strace s9  }
0x27: {  	s1 =	sld [smem:$0x3FAD]  }
0x28: {  	s2 =	sld [smem:$0x3FAE]  }
0x29: {  	s4 =	sld [smem:$0x3FB0]  }
0x2a: {  	p0 =	seq.s32 s5, $0x0;
	s5 =	sld [smem:$0x3FB1]  }
0x2b: {  	s6 =	sld [smem:$0x3FB2]  }
0x2c: {  	s7 =	sld [smem:$0x3FB3]  }
0x2d: {  	s3 =	simm.s32 $0x108;
	s8 =	sld [smem:$0x3FB4]  }
0x2e: {  	s3 =	simm.s32 @!p0 $0x1082;
	s9 =	sld [smem:$0x3FB5]  }
0x2f: {  	lr =	sadd.s32 s0, s3;
	s0 =	sld [smem:$0x3FAC]  }
0x30: {  	s3 =	sld [smem:$0x3FAF]  }
0x31: {  	[smem:$0x3FB8] =	sst s10  }
0x32: {  	s10 =	sld [smem:$0x3FB6];
	_ =	sdelay $0x3  }
0x33: {  	p0 =	seq.s32 s10, $0x1;
	s10 =	sld [smem:$0x3FB8];
	_ =	sdelay $0x3  }
0x34: {  	[smem:$0x3FB8] =	sst s10  }
0x35: {  	s10 =	sld [smem:$0x3FB7];
	_ =	sdelay $0x3  }
0x36: {  	p1 =	seq.s32 s10, $0x1;
	s10 =	sld [smem:$0x3FB8];
	_ =	sdelay $0x3  }
0x37: {  	[smem:$0x3FB8] =	sst s10  }
0x38: {  	s10 =	sld [smem:$0x3FB9]  }
0x39: {  	_ = 	snop;
	(pc) =	sbr.ind lr, $3  }
0x3a: {  	_ = 	snop  }
0x3b: {  	_ = 	snop  }
0x3c: {  	p2 =	seq.s32 s10, $0x1;
	s10 =	sld [smem:$0x3FB8]  }
0x3d: {  	_ =	shalt  }
0x3e: {  	_ =	shalt  }
0x3f: {  	_ =	shalt  }
0x40: {  	_ =	shalt  }
0x41: {  	_ =	shalt  }
0x42: {  	_ =	shalt  }
0x43: {  	_ =	shalt  }
0x44: {  	_ =	shalt  }
0x45: {  	_ =	shalt  }
0x46: {  	_ =	shalt  }
0x47: {  	_ =	shalt  }
0x48: {  	_ =	shalt  }
0x49: {  	_ =	shalt  }
0x4a: {  	_ =	shalt  }
0x4b: {  	_ =	shalt  }
0x4c: {  	_ =	shalt  }
0x4d: {  	_ =	shalt  }
0x4e: {  	_ =	shalt  }
0x4f: {  	_ =	shalt  }
0x50: {  	_ =	shalt  }
0x51: {  	_ =	shalt  }
0x52: {  	_ =	shalt  }
0x53: {  	_ =	shalt  }
0x54: {  	_ =	shalt  }
0x55: {  	_ =	shalt  }
0x56: {  	_ =	shalt  }
0x57: {  	_ =	shalt  }
0x58: {  	_ =	shalt  }
0x59: {  	_ =	shalt  }
0x5a: {  	_ =	shalt  }
0x5b: {  	_ =	shalt  }
0x5c: {  	_ =	shalt  }
0x5d: {  	_ =	shalt  }
0x5e: {  	_ =	shalt  }
0x5f: {  	_ =	shalt  }
0x60: {  	_ =	shalt  }
0x61: {  	_ =	shalt  }
0x62: {  	_ =	shalt  }
0x63: {  	_ =	shalt  }
0x64: {  	_ =	shalt  }
0x65: {  	_ =	shalt  }
0x66: {  	_ =	shalt  }
0x67: {  	_ =	shalt  }
0x68: {  	_ =	shalt  }
0x69: {  	_ =	shalt  }
0x6a: {  	_ =	shalt  }
0x6b: {  	_ =	shalt  }
0x6c: {  	_ =	shalt  }
0x6d: {  	_ =	shalt  }
0x6e: {  	_ =	shalt  }
0x6f: {  	_ =	shalt  }
0x70: {  	_ =	shalt  }
0x71: {  	_ =	shalt  }
0x72: {  	_ =	shalt  }
0x73: {  	_ =	shalt  }
0x74: {  	_ =	shalt  }
0x75: {  	_ =	shalt  }
0x76: {  	_ =	shalt  }
0x77: {  	_ =	shalt  }
0x78: {  	_ =	shalt  }
0x79: {  	_ =	shalt  }
0x7a: {  	_ =	shalt  }
0x7b: {  	_ =	shalt  }
0x7c: {  	_ =	shalt  }
0x7d: {  	_ =	shalt  }
0x7e: {  	_ =	shalt  }
0x7f: {  	_ =	shalt  }
0x80: {  	_ =	shalt  }
0x81: {  	_ =	shalt  }
0x82: {  	_ =	shalt  }
0x83: {  	_ =	shalt  }
0x84: {  	_ =	shalt  }
0x85: {  	_ =	shalt  }
0x86: {  	_ =	shalt  }
0x87: {  	_ =	shalt  }
.Lfunc_end0:
.L_simem_size_0:
called_computation_lowered:
.L_overlay_start_0:
0x88: {  	s2 =	sld [smem:$0x3FD9]  }
0x89: {  	s3 =	sld [smem:$0x3FFE];
	_ =	sdelay $0x1  }
0x8a: {  	s1 =	srdreg.scid  }
0x8b: {  	s0 =	sand.u32 $0x1, s1  }
0x8c: {  	s17 =	sshll.u32 s0, $0xA;
	s2 =	sadd.s32 s3, s2  }
0x8d: {  	s2 =	sadd.s32 s2, s17  }
0x8e: {  	[smem:$0x3FC4] =	sst s2  }
0x8f: {  	_ = 	snop  }
0x90: {  	s2 =	sld [smem:$0x3FC7]  }
0x91: {  	s18 =	sld [smem:$0x3FC6]  }
0x92: {  	s4 =	sld [smem:$0x3FD0];
	(tm) =	ssettm $0x1  }
0x93: {  	s5 =	sld [smem:$0x3FFB];
	_ =	sdelay $0x3  }
0x94: {  	_ =	strace s5  }
0x95: {  	s5 =	sld [smem:$0x3FFC];
	_ =	sdelay $0x3  }
0x96: {  	_ =	strace s5  }
0x97: {  	s5 =	sld [smem:$0x3FFD];
	_ =	sdelay $0x3  }
0x98: {  	_ =	strace s5  }
0x99: {  	_ =	strace $0x8FFFFFFF  }
0x9a: {  	s19 =	sld [smem:$0x3FDB];
	_ =	sdelay $0x1  }
0x9b: {  	s6 =	simm.s32 $_scs_section_size  }
0x9c: {  	s7 =	simm.s32 $_size__tile_overlayer_lowered;
	s8 =	simm.s32 $_tile_overlayer_lowered  }
0x9d: {  	s22 =	simm.s32 $0x1BFF;
	s21 =	sshll.u32 s8, $0x1;
	s5 =	sadd.s32 s6, s19  }
0x9e: {  	s9 =	simm.s32 $0x0;
	s20 =	sshll.u32 s7, $0x1;
	s7 =	sadd.s32 s21, s5  }
0x9f: {  	[timem:s9], [sflag:s22] =	dma.local [hbm:s7], s20  }
0xa0: {  	_ =	swait.ge [sflag:s22], s20  }
0xa1: {  	s6 =	ssub.s32 $0x0, s20;
	[sflag:s22] =	ssyncset.done $0x0  }
0xa2: {  	[sflag:s22] =	ssyncadd.s32 s6;
	_ =	sdelay $0x1  }
0xa3: {  	s23 =	simm.s32 $0x1B8B  }
0xa4: {  	_ =	swait.ge [sflag:s23], $0x1  }
0xa5: {  	[sflag:s23] =	ssyncset.done $0x0  }
0xa6: {  	s25 =	simm.s32 $0x1B8E;
	s24 =	sld [smem:$0x3FFE];
	[sflag:s23] =	ssyncadd.s32 $0xFFFFFFFF  }
0xa7: {  	s26 =	simm.s32 $execute0_lowered;
	[smem:$0x3FD2] =	sst s25  }
0xa8: {  	s7 =	sshll.u32 s26, $0x1;
	_ =	strace $0x80000046;
	[dreg:$0x1] =	wrdreg $0xFFFFFFFF  }
0xa9: {  	s28 =	simm.s32 $_size_execute0_lowered;
	s5 =	sadd.s32 s5, s7;
	[dreg:$0x0] =	wrdreg $0x0  }
0xaa: {  	s7 =	sshll.u32 s28, $0x1;
	[dreg:$0x2] =	wrdreg s5  }
0xab: {  	[dreg:$0x3] =	wrdreg s7  }
0xac: {  	[dreg:$0x4] =	wrdreg $0xC0  }
0xad: {  	_ =	task [dreg:s9], $0x5FFFF  }
0xae: {  	[dreg:$0x1] =	wrdreg $0xFFFFFFFF  }
0xaf: {  	[dreg:$0x0] =	wrdreg $0x60  }
0xb0: {  	[dreg:$0x2] =	wrdreg s24  }
0xb1: {  	[dreg:$0x3] =	wrdreg s2  }
0xb2: {  	[dreg:$0x4] =	wrdreg s18  }
0xb3: {  	[dreg:$0x5] =	wrdreg s4  }
0xb4: {  	[dreg:$0x6] =	wrdreg $0x194000  }
0xb5: {  	[dreg:$0x7] =	wrdreg $0x194F00  }
0xb6: {  	[dreg:$0x8] =	wrdreg $0x9  }
0xb7: {  	_ =	task.clear_ibuf [dreg:s9], $0x9FFFF;
	_ =	strace $0x90000046  }
0xb8: {  	s29 =	simm.s32 $0x9;
	_ =	strace $0x80000048  }
0xb9: {  	_ =	swait.ge [sflag:s29], $0x1  }
0xba: {  	[sflag:s29] =	ssyncadd.s32 $0xFFFFFFFF  }
0xbb: {  	_ =	strace $0x90000048  }
0xbc: {  	_ =	sfence  }
0xbd: {  	s30 =	sld [smem:$0x0];
	_ =	sdelay $0x2  }
0xbe: {  	s31 =	sshll.u32 s1, $0xD;
	s1 =	sshrl.u32 s1, $0x2  }
0xbf: {  	s3 =	sand.u32 $0x4000, s31;
	s1 =	sadd.s32 s1, s30  }
0xc0: {  	s0 =	sor.u32 s3, s0;
	s1 =	sshll.u32 s1, $0x11  }
0xc1: {  	s0 =	sor.u32 s1, s0  }
0xc2: {  	s0 =	sadd.s32 $0x8F2B, s0  }
0xc3: {  	[sflag:s0] =	ssyncadd.remote.s32 $0x1  }
0xc4: {  	_ =	sfence.sel $0xFFFF  }
0xc5: {  	[dreg:$0x0] =	wrdreg $0xFFFFFFFF;
	(pc) =	sbr.abs _section_cstart, $3  }
0xc6: {  	[dreg:$0x1] =	wrdreg $0xFFFFFFFF  }
0xc7: {  	_ =	task.clear_ibuf [dreg:s9], $0x2FFFF;
	_ =	strace $0x9FFFFFFF  }
0xc8: {  	(tm) =	ssettm $0x7FFFFFFF  }
0xc9: {  	_ =	shalt  }
tec
execute0_lowered:
.L_overlay_start_1:
0x0: {  	(tag) =	ssettag $0x1  }
0x1: {  	s0 =	rddreg [dreg:$0x0]  }
0x2: {  	s1 =	rddreg [dreg:$0x3]  }
0x3: {  	s3 =	rddreg [dreg:$0x4]  }
0x4: {  	s4 =	rddreg [dreg:$0x5]  }
0x5: {  	s2 =	srdreg.scid;
	s6 =	stileid.u32  }
0x6: {  	s5 =	simm.s32 $0x0;
	s20 =	simm.s32 $0x4;
	s28 =	simm.s32 $0x300  }
0x7: {  	s29 =	simm.s32 $0x6800;
	s30 =	simm.s32 $0x13000;
	s31 =	simm.s32 $0x800  }
0x8: {  	s2 =	sand.u32 $0x1, s2;
	s7 =	sshll.u32 s6, $0x1;
	s13 =	smul.u32 $0xC800, s6  }
0x9: {  	[smem:$0x7FF] =	sst s5;
	s17 =	sadd.s32 $0x600, s0;
	s16 =	smul.u32 $0x190000, s6  }
0xa: {  	s0 =	sadd.s32 $0x19600, s0;
	s7 =	sor.u32 s2, s7;
	s14 =	smul.u32 $0x6400, s2  }
0xb: {  	p0 =	sne.s32 s6, $0x0;
	s8 =	ssub.s32 $0x2, s2;
	s9 =	smul.u32 $0x6400, s7  }
0xc: {  	_ =	strace $0x80000047;
	s10 =	sshrl.u32 s8, $0x1;
	s7 =	smul.u32 $0x640000, s7  }
0xd: {  	s2 =	smul.u32 $0xC8000, s2;
	s8 =	ssub.s32 s8, s10;
	s24 =	sadd.s32 s14, s13  }
0xe: {  	s21 =	sshrl.u32 s9, $0x3;
	s22 =	sadd.s32 $0x6338, s9;
	s7 =	sshrl.u32 s7, $0x3  }
0xf: {  	s15 =	sor.u32 $0x190, s24;
	s14 =	smax.u32 s8, $0x1;
	s11 =	sadd.s32 s17, s21  }
0x10: {  	s10 =	sadd.s32 s0, s21;
	s9 =	sshrl.u32 s22, $0x3;
	s7 =	sadd.s32 s1, s7  }
0x11: {  	s12 =	sshll.u32 s22, $0x5;
	s25 =	sshrl.u32 s15, $0x3;
	[dreg:$0x7] =	wrdreg s11  }
0x12: {  	s21 =	simm.s32 $0x200;
	s22 =	simm.s32 $0xC8;
	[dreg:$0x8] =	wrdreg s10  }
0x13: {  	s23 =	sadd.s32 s17, s9;
	s9 =	sadd.s32 s0, s9;
	s10 =	sadd.s32 $0xC4E00, s7  }
0x14: {  	s11 =	sadd.s32 $0xC4E80, s7;
	s12 =	sadd.s32 s1, s12;
	s15 =	sadd.s32 s25, s0  }
0x15: {  	s1 =	sadd.s32 s16, s1;
	s7 =	sor.u32 $0xC8, s24;
	s16 =	sadd.s32 s25, s17  }
0x16: {  	s24 =	simm.s32 $0xCC00;
	s25 =	simm.s32 $0x1;
	[dreg:$0x9] =	wrdreg s23  }
0x17: {  	[dreg:$0xa] =	wrdreg s9;
	s13 =	sadd.s32 $0x80, s12;
	s1 =	sadd.s32 s2, s1  }
0x18: {  	s26 =	sshrl.u32 s7, $0x3;
	s23 =	simm.s32 $0x400;
	s2 =	simm.s32 $0x0  }
0x19: {  	s7 =	sadd.s32 $0x1980, s1;
	s18 =	sadd.s32 s26, s0;
	s19 =	sadd.s32 s26, s17  }
0x1a: {  	s26 =	simm.s32 $0x100;
	s0 =	simm.s32 $0x3;
	s1 =	simm.s32 $0x2  }
.LBB2_1:
0x1b: {  	s6 =	sshrl.u32 @!p0 s3, $0x3;
	s8 =	simm.s32 @!p0 $0x1C04;
	s9 =	rddreg [dreg:$0x1]  }
0x1c: {  	[spmem:s6], [sflag:s8] =	dma.local @!p0 [hbm:s9], $0x1E0  }
0x1d: {  	s6 =	simm.s32 @!p0 $0x4  }
0x1e: {  	_ =	swait.ge @!p0 [sflag:s6], $0x1E0  }
0x1f: {  	[sflag:s6] =	ssyncset.done @!p0 $0x0  }
0x20: {  	[sflag:s6] =	ssyncadd.s32 @!p0 $0xFFFFFE20  }
0x21: {  	s17 =	sshrl.u32 @!p0 s4, $0x3;
	s9 =	rddreg [dreg:$0x2]  }
0x22: {  	[spmem:s17], [sflag:s8] =	dma.local @!p0 [hbm:s9], $0x1E0  }
0x23: {  	_ =	swait.ge @!p0 [sflag:s6], $0x1E0  }
0x24: {  	[sflag:s6] =	ssyncset.done @!p0 $0x0  }
0x25: {  	[sflag:s6] =	ssyncadd.s32 @!p0 $0xFFFFFE20  }
0x26: {  	[bflag:$0x0] =	sbarrier.arrive $0xFFFF  }
0x27: {  	s8 =	rddreg [dreg:$0x7]  }
0x28: {  	[tilespmem:s5], [sflag:$0x4] =	stream.linear.gather [hbm4b:s8+s5], $0xC8, $0x38;
	[tilespmem:$0x195E0] =	vst v63  }
0x29: {  	_ =	swait.ge [sflag:s20], $0xC8  }
0x2a: {  	[sflag:s20] =	ssyncset.done $0x0  }
0x2b: {  	s9 =	rddreg [dreg:$0x8];
	[sflag:s20] =	ssyncadd.s32 $0xFFFFFF38  }
0x2c: {  	[tilespmem:s21], [sflag:$0x4] =	stream.linear.gather [hbm4b:s9+s5], $0xC8, $0x38;
	[tilespmem:$0x195E0] =	vst v63  }
0x2d: {  	_ =	swait.ge [sflag:s20], $0xC8  }
0x2e: {  	[sflag:s20] =	ssyncset.done $0x0  }
0x2f: {  	[sflag:s20] =	ssyncadd.s32 $0xFFFFFF38  }
0x30: {  	[tilespmem:s23], [sflag:$0x1] =	stream.indirect.gather [spmem:s3], $0x80, s5, s22, $0xb8;
	[tilespmem:$0x195E0] =	vst v63  }
0x31: {  	_ = 	snop  }
0x32: {  	[tilespmem:s24], [sflag:$0x1] =	stream.indirect.gather [spmem:s4], $0x80, s21, s22, $0xb8;
	[tilespmem:$0x195E0] =	vst v63  }
0x33: {  	_ =	swait.ge [sflag:s25], $0x6400  }
0x34: {  	[sflag:s25] =	ssyncset.done $0x0  }
0x35: {  	[sflag:s25] =	ssyncadd.s32 $0xFFFF9C00  }
0x36: {  	_ =	swait.ge [sflag:s25], $0x6400  }
0x37: {  	[sflag:s25] =	ssyncset.done $0x0  }
0x38: {  	s17 =	sadd.s32 $0x0, s19;
	[sflag:s25] =	ssyncadd.s32 $0xFFFF9C00  }
0x39: {  	[tilespmem:s26], [sflag:$0x4] =	stream.linear.gather [hbm4b:s17+s5], $0xC8, $0x38;
	[tilespmem:$0x195E0] =	vst v63  }
0x3a: {  	_ =	swait.ge [sflag:s20], $0xC8  }
0x3b: {  	[sflag:s20] =	ssyncset.done $0x0  }
0x3c: {  	s8 =	sadd.s32 $0x0, s18;
	[sflag:s20] =	ssyncadd.s32 $0xFFFFFF38  }
0x3d: {  	[tilespmem:s28], [sflag:$0x4] =	stream.linear.gather [hbm4b:s8+s5], $0xC8, $0x38;
	[tilespmem:$0x195E0] =	vst v63  }
0x3e: {  	_ =	swait.ge [sflag:s20], $0xC8  }
0x3f: {  	[sflag:s20] =	ssyncset.done $0x0  }
0x40: {  	[sflag:s20] =	ssyncadd.s32 $0xFFFFFF38  }
0x41: {  	[tilespmem:s29], [sflag:$0x2] =	stream.indirect.gather [spmem:s3], $0x80, s26, s22, $0xb8;
	[tilespmem:$0x195E0] =	vst v63  }
0x42: {  	_ = 	snop  }
0x43: {  	[tilespmem:s30], [sflag:$0x2] =	stream.indirect.gather [spmem:s4], $0x80, s28, s22, $0xb8;
	[tilespmem:$0x195E0] =	vst v63  }
0x44: {  	s9 =	sadd.s32 $0xFFFFE680, s7  }
0x45: {  	[hbm4b:s9+s23] =	stream.strided.scatter [tilespmem:s23], [sflag:$0x3], $0x6400, s31, s23, $0x38;
	[tilespmem:$0x195E0] =	vst v63  }
0x46: {  	s17 =	sadd.s32 $0xFFFFE700, s7  }
0x47: {  	[hbm4b:s17+s23] =	stream.strided.scatter [tilespmem:s24], [sflag:$0x3], $0x6400, s31, s23, $0x38;
	[tilespmem:$0x195E0] =	vst v63  }
0x48: {  	_ =	swait.ge [sflag:s0], $0x6400  }
0x49: {  	[sflag:s0] =	ssyncset.done $0x0  }
0x4a: {  	[sflag:s0] =	ssyncadd.s32 $0xFFFF9C00  }
0x4b: {  	_ =	swait.ge [sflag:s0], $0x6400  }
0x4c: {  	[sflag:s0] =	ssyncset.done $0x0  }
0x4d: {  	[sflag:s0] =	ssyncadd.s32 $0xFFFF9C00  }
0x4e: {  	_ =	swait.ge [sflag:s1], $0x6400  }
0x4f: {  	[sflag:s1] =	ssyncset.done $0x0  }
0x50: {  	[sflag:s1] =	ssyncadd.s32 $0xFFFF9C00  }
0x51: {  	_ =	swait.ge [sflag:s1], $0x6400  }
0x52: {  	[sflag:s1] =	ssyncset.done $0x0  }
0x53: {  	s8 =	sadd.s32 $0x0, s16;
	[sflag:s1] =	ssyncadd.s32 $0xFFFF9C00  }
0x54: {  	[tilespmem:s5], [sflag:$0x4] =	stream.linear.gather [hbm4b:s8+s5], $0xC8, $0x38;
	[tilespmem:$0x195E0] =	vst v63  }
0x55: {  	_ =	swait.ge [sflag:s20], $0xC8  }
0x56: {  	[sflag:s20] =	ssyncset.done $0x0  }
0x57: {  	s9 =	sadd.s32 $0x0, s15;
	[sflag:s20] =	ssyncadd.s32 $0xFFFFFF38  }
0x58: {  	[tilespmem:s21], [sflag:$0x4] =	stream.linear.gather [hbm4b:s9+s5], $0xC8, $0x38;
	[tilespmem:$0x195E0] =	vst v63  }
0x59: {  	_ =	swait.ge [sflag:s20], $0xC8  }
0x5a: {  	[sflag:s20] =	ssyncset.done $0x0  }
0x5b: {  	[sflag:s20] =	ssyncadd.s32 $0xFFFFFF38  }
0x5c: {  	[tilespmem:s23], [sflag:$0x1] =	stream.indirect.gather [spmem:s3], $0x80, s5, s22, $0xb8;
	[tilespmem:$0x195E0] =	vst v63  }
0x5d: {  	_ = 	snop  }
0x5e: {  	[tilespmem:s24], [sflag:$0x1] =	stream.indirect.gather [spmem:s4], $0x80, s21, s22, $0xb8;
	[tilespmem:$0x195E0] =	vst v63  }
0x5f: {  	s17 =	sadd.s32 $0xFFFFFF80, s7  }
0x60: {  	[hbm4b:s17+s23] =	stream.strided.scatter [tilespmem:s29], [sflag:$0x3], $0x6400, s31, s23, $0x38;
	[tilespmem:$0x195E0] =	vst v63  }
0x61: {  	_ = 	snop  }
0x62: {  	[hbm4b:s7+s23] =	stream.strided.scatter [tilespmem:s30], [sflag:$0x3], $0x6400, s31, s23, $0x38;
	[tilespmem:$0x195E0] =	vst v63  }
0x63: {  	_ =	swait.ge [sflag:s0], $0x6400  }
0x64: {  	[sflag:s0] =	ssyncset.done $0x0  }
0x65: {  	[sflag:s0] =	ssyncadd.s32 $0xFFFF9C00  }
0x66: {  	_ =	swait.ge [sflag:s0], $0x6400  }
0x67: {  	s6 =	simm.s32 $0x32;
	s17 =	smov.u32 s7;
	[sflag:s0] =	ssyncset.done $0x0  }
.LBB2_2:
0x68: {  	p1 =	sne.s32 s6, $0xC1C;
	[sflag:s0] =	ssyncadd.s32 $0xFFFF9C00;
	s17 =	sadd.s32 $0x3200, s17  }
0x69: {  	s8 =	smov.u32 s6;
	s6 =	sadd.s32 $0x32, s6;
	_ =	swait.ge [sflag:s25], $0x6400  }
0x6a: {  	[sflag:s25] =	ssyncset.done $0x0  }
0x6b: {  	[sflag:s25] =	ssyncadd.s32 $0xFFFF9C00  }
0x6c: {  	_ =	swait.ge [sflag:s25], $0x6400  }
0x6d: {  	[sflag:s25] =	ssyncset.done $0x0  }
0x6e: {  	s9 =	sadd.s32 s8, s19;
	[sflag:s25] =	ssyncadd.s32 $0xFFFF9C00  }
0x6f: {  	[tilespmem:s26], [sflag:$0x4] =	stream.linear.gather [hbm4b:s9+s5], $0xC8, $0x38;
	[tilespmem:$0x195E0] =	vst v63  }
0x70: {  	_ =	swait.ge [sflag:s20], $0xC8  }
0x71: {  	[sflag:s20] =	ssyncset.done $0x0  }
0x72: {  	s9 =	sadd.s32 s8, s18;
	[sflag:s20] =	ssyncadd.s32 $0xFFFFFF38  }
0x73: {  	[tilespmem:s28], [sflag:$0x4] =	stream.linear.gather [hbm4b:s9+s5], $0xC8, $0x38;
	[tilespmem:$0x195E0] =	vst v63  }
0x74: {  	_ =	swait.ge [sflag:s20], $0xC8  }
0x75: {  	[sflag:s20] =	ssyncset.done $0x0  }
0x76: {  	[sflag:s20] =	ssyncadd.s32 $0xFFFFFF38  }
0x77: {  	[tilespmem:s29], [sflag:$0x2] =	stream.indirect.gather [spmem:s3], $0x80, s26, s22, $0xb8;
	[tilespmem:$0x195E0] =	vst v63  }
0x78: {  	_ = 	snop  }
0x79: {  	[tilespmem:s30], [sflag:$0x2] =	stream.indirect.gather [spmem:s4], $0x80, s28, s22, $0xb8;
	[tilespmem:$0x195E0] =	vst v63  }
0x7a: {  	s9 =	sadd.s32 $0xFFFFE680, s17  }
0x7b: {  	[hbm4b:s9+s23] =	stream.strided.scatter [tilespmem:s23], [sflag:$0x3], $0x6400, s31, s23, $0x38;
	[tilespmem:$0x195E0] =	vst v63  }
0x7c: {  	s9 =	sadd.s32 $0xFFFFE700, s17  }
0x7d: {  	[hbm4b:s9+s23] =	stream.strided.scatter [tilespmem:s24], [sflag:$0x3], $0x6400, s31, s23, $0x38;
	[tilespmem:$0x195E0] =	vst v63  }
0x7e: {  	_ =	swait.ge [sflag:s0], $0x6400  }
0x7f: {  	[sflag:s0] =	ssyncset.done $0x0  }
0x80: {  	[sflag:s0] =	ssyncadd.s32 $0xFFFF9C00  }
0x81: {  	_ =	swait.ge [sflag:s0], $0x6400  }
0x82: {  	[sflag:s0] =	ssyncset.done $0x0  }
0x83: {  	[sflag:s0] =	ssyncadd.s32 $0xFFFF9C00  }
0x84: {  	_ =	swait.ge [sflag:s1], $0x6400  }
0x85: {  	[sflag:s1] =	ssyncset.done $0x0  }
0x86: {  	[sflag:s1] =	ssyncadd.s32 $0xFFFF9C00  }
0x87: {  	_ =	swait.ge [sflag:s1], $0x6400  }
0x88: {  	[sflag:s1] =	ssyncset.done $0x0  }
0x89: {  	s9 =	sadd.s32 s8, s16;
	[sflag:s1] =	ssyncadd.s32 $0xFFFF9C00  }
0x8a: {  	[tilespmem:s5], [sflag:$0x4] =	stream.linear.gather [hbm4b:s9+s5], $0xC8, $0x38;
	[tilespmem:$0x195E0] =	vst v63  }
0x8b: {  	_ =	swait.ge [sflag:s20], $0xC8  }
0x8c: {  	[sflag:s20] =	ssyncset.done $0x0  }
0x8d: {  	s8 =	sadd.s32 s8, s15;
	[sflag:s20] =	ssyncadd.s32 $0xFFFFFF38  }
0x8e: {  	[tilespmem:s21], [sflag:$0x4] =	stream.linear.gather [hbm4b:s8+s5], $0xC8, $0x38;
	[tilespmem:$0x195E0] =	vst v63  }
0x8f: {  	_ =	swait.ge [sflag:s20], $0xC8  }
0x90: {  	[sflag:s20] =	ssyncset.done $0x0  }
0x91: {  	[sflag:s20] =	ssyncadd.s32 $0xFFFFFF38  }
0x92: {  	[tilespmem:s23], [sflag:$0x1] =	stream.indirect.gather [spmem:s3], $0x80, s5, s22, $0xb8;
	[tilespmem:$0x195E0] =	vst v63  }
0x93: {  	_ = 	snop  }
0x94: {  	[tilespmem:s24], [sflag:$0x1] =	stream.indirect.gather [spmem:s4], $0x80, s21, s22, $0xb8;
	[tilespmem:$0x195E0] =	vst v63  }
0x95: {  	s8 =	sadd.s32 $0xFFFFFF80, s17  }
0x96: {  	[hbm4b:s8+s23] =	stream.strided.scatter [tilespmem:s29], [sflag:$0x3], $0x6400, s31, s23, $0x38;
	[tilespmem:$0x195E0] =	vst v63  }
0x97: {  	_ = 	snop  }
0x98: {  	[hbm4b:s17+s23] =	stream.strided.scatter [tilespmem:s30], [sflag:$0x3], $0x6400, s31, s23, $0x38;
	[tilespmem:$0x195E0] =	vst v63  }
.Ltmp0:
0x99: {  	_ =	swait.ge [sflag:s0], $0x6400;
	(pc) =	sbr.rel @p1 .LBB2_2-.Ltmp0, $4  }
0x9a: {  	[sflag:s0] =	ssyncset.done $0x0  }
0x9b: {  	[sflag:s0] =	ssyncadd.s32 $0xFFFF9C00  }
0x9c: {  	_ =	swait.ge [sflag:s0], $0x6400  }
0x9d: {  	[sflag:s0] =	ssyncset.done $0x0  }
0x9e: {  	[sflag:s0] =	ssyncadd.s32 $0xFFFF9C00  }
0x9f: {  	_ =	swait.ge [sflag:s25], $0x6400  }
0xa0: {  	[sflag:s25] =	ssyncset.done $0x0  }
0xa1: {  	[sflag:s25] =	ssyncadd.s32 $0xFFFF9C00  }
0xa2: {  	_ =	swait.ge [sflag:s25], $0x6400  }
0xa3: {  	[sflag:s25] =	ssyncset.done $0x0  }
0xa4: {  	s6 =	rddreg [dreg:$0x9];
	[sflag:s25] =	ssyncadd.s32 $0xFFFF9C00  }
0xa5: {  	[tilespmem:s26], [sflag:$0x4] =	stream.linear.gather [hbm4b:s6+s5], $0xC8, $0x38;
	[tilespmem:$0x195E0] =	vst v63  }
0xa6: {  	_ =	swait.ge [sflag:s20], $0xC8  }
0xa7: {  	[sflag:s20] =	ssyncset.done $0x0  }
0xa8: {  	s17 =	rddreg [dreg:$0xa];
	[sflag:s20] =	ssyncadd.s32 $0xFFFFFF38  }
0xa9: {  	[tilespmem:s28], [sflag:$0x4] =	stream.linear.gather [hbm4b:s17+s5], $0xC8, $0x38;
	[tilespmem:$0x195E0] =	vst v63  }
0xaa: {  	_ =	swait.ge [sflag:s20], $0xC8  }
0xab: {  	[sflag:s20] =	ssyncset.done $0x0  }
0xac: {  	[sflag:s20] =	ssyncadd.s32 $0xFFFFFF38  }
0xad: {  	[tilespmem:s29], [sflag:$0x2] =	stream.indirect.gather [spmem:s3], $0x80, s26, s22, $0xb8;
	[tilespmem:$0x195E0] =	vst v63  }
0xae: {  	_ = 	snop  }
0xaf: {  	[tilespmem:s30], [sflag:$0x2] =	stream.indirect.gather [spmem:s4], $0x80, s28, s22, $0xb8;
	[tilespmem:$0x195E0] =	vst v63  }
0xb0: {  	_ = 	snop  }
0xb1: {  	[hbm4b:s10+s23] =	stream.strided.scatter [tilespmem:s23], [sflag:$0x3], $0x6400, s31, s23, $0x38;
	[tilespmem:$0x195E0] =	vst v63  }
0xb2: {  	_ = 	snop  }
0xb3: {  	[hbm4b:s11+s23] =	stream.strided.scatter [tilespmem:s24], [sflag:$0x3], $0x6400, s31, s23, $0x38;
	[tilespmem:$0x195E0] =	vst v63  }
0xb4: {  	_ =	swait.ge [sflag:s0], $0x6400  }
0xb5: {  	[sflag:s0] =	ssyncset.done $0x0  }
0xb6: {  	[sflag:s0] =	ssyncadd.s32 $0xFFFF9C00  }
0xb7: {  	_ =	swait.ge [sflag:s0], $0x6400  }
0xb8: {  	[sflag:s0] =	ssyncset.done $0x0  }
0xb9: {  	[sflag:s0] =	ssyncadd.s32 $0xFFFF9C00  }
0xba: {  	_ =	swait.ge [sflag:s1], $0x6400  }
0xbb: {  	[sflag:s1] =	ssyncset.done $0x0  }
0xbc: {  	[sflag:s1] =	ssyncadd.s32 $0xFFFF9C00  }
0xbd: {  	_ =	swait.ge [sflag:s1], $0x6400  }
0xbe: {  	[sflag:s1] =	ssyncset.done $0x0  }
0xbf: {  	[sflag:s1] =	ssyncadd.s32 $0xFFFF9C00  }
0xc0: {  	[hbm4b:s12+s23] =	stream.strided.scatter [tilespmem:s29], [sflag:$0x3], $0x6400, s31, s23, $0x38;
	[tilespmem:$0x195E0] =	vst v63  }
0xc1: {  	s2 =	sadd.s32 $0x1, s2  }
0xc2: {  	[hbm4b:s13+s23] =	stream.strided.scatter [tilespmem:s30], [sflag:$0x3], $0x6400, s31, s23, $0x38;
	[tilespmem:$0x195E0] =	vst v63  }
0xc3: {  	p1 =	sne.s32 s2, s14;
	_ =	swait.ge [sflag:s0], $0x6400  }
.Ltmp1:
0xc4: {  	[sflag:s0] =	ssyncset.done $0x0;
	(pc) =	sbr.rel @p1 .LBB2_1-.Ltmp1, $4  }
0xc5: {  	[sflag:s0] =	ssyncadd.s32 $0xFFFF9C00  }
0xc6: {  	_ =	swait.ge [sflag:s0], $0x6400  }
0xc7: {  	[sflag:s0] =	ssyncset.done $0x0  }
0xc8: {  	[sflag:s0] =	ssyncadd.s32 $0xFFFF9C00  }
0xc9: {  	_ =	sfence.sel $0x180000  }
0xca: {  	[bflag:$0x0] =	sbarrier.arrive $0xFFFF  }
0xcb: {  	_ =	strace $0x90000047  }
0xcc: {  	[bflag:$0x2] =	sbarrier.arrive $0xFFFF  }
0xcd: {  	s0 =	rddreg [dreg:$0x6]  }
0xce: {  	s0 =	sadd.s32 @!p0 $0x100000, s0  }
0xcf: {  	[sflag:s0] =	ssyncadd.tile.s32 @!p0 $0x1;
	_ =	shalt  }
.Lfunc_end2:
_tile_overlayer_lowered:
.L_overlay_start_2:
0xd0: {  	(tag) =	ssettag $0x2  }
0xd1: {  	s0 =	rddreg [dreg:$0x0];
	s2 =	stileid.u32  }
0xd2: {  	s1 =	rddreg [dreg:$0x1];
	p0 =	sne.s32 s2, $0x0  }
0xd3: {  	s3 =	rddreg [dreg:$0x2];
	[bflag:$0x3] =	sbarrier.arrive $0xFFFF;
	s2 =	simm.s32 @!p0 $0x1C04  }
0xd4: {  	[timem:s3], [sflag:s2] =	dma.local @!p0 [hbm:s0], s1  }
0xd5: {  	s0 =	simm.s32 @!p0 $0x4  }
0xd6: {  	_ =	swait.ge @!p0 [sflag:s0], s1  }
0xd7: {  	s1 =	ssub.s32 @!p0 $0x0, s1;
	[sflag:s0] =	ssyncset.done @!p0 $0x0  }
0xd8: {  	[sflag:s0] =	ssyncadd.s32 @!p0 s1  }
0xd9: {  	[bflag:$0x3] =	sbarrier.arrive $0xFFFF  }
0xda: {  	_ =	shalt  }

</sc_bundles>
